<compile_context>
chip_gen: v7x
topology: tpu7x:2x2x1
jax: 0.10.2.dev20260603
libtpu: 0.0.44.dev20260713+nightly
codegen_flags: <defaults>
</compile_context>

<pallas_src>
import dataclasses
import functools

import jax
import jax.numpy as jnp
from jax import lax
from jax.experimental import pallas as pl
from jax.experimental.pallas import tpu as pltpu
from jax.experimental.pallas import tpu_sc as plsc

NUM_CORES = 2
NUM_SUBCORES = 16
NUM_WORKERS = NUM_CORES * NUM_SUBCORES
LANES = 16

SB = 80
CH = 2000
NSTREAM = CH // SB


def _sc_partial_sums(rnl, recv, zeros8, n_pad, n_edges):
    epw = n_edges // NUM_WORKERS
    nchunk = epw // CH
    rows_per_sub = n_pad // NUM_SUBCORES

    mesh = plsc.VectorSubcoreMesh(core_axis_name="c", subcore_axis_name="s")
    out_t = jax.ShapeDtypeStruct((NUM_CORES, n_pad, 8), jnp.float32)
    cp = pltpu.CompilerParams()
    if "needs_layout_passes" in pltpu.CompilerParams.__dataclass_fields__:
        cp = dataclasses.replace(cp, needs_layout_passes=False)
    if "use_tc_tiling_on_sc" in pltpu.CompilerParams.__dataclass_fields__:
        cp = dataclasses.replace(cp, use_tc_tiling_on_sc=False)

    @functools.partial(
        pl.kernel,
        out_type=(out_t, out_t),
        mesh=mesh,
        compiler_params=cp,
        scratch_types=[
            pltpu.VMEM((CH, 8), jnp.float32),
            pltpu.VMEM((CH, 8), jnp.float32),
            pltpu.VMEM((CH,), jnp.int32),
            pltpu.VMEM_SHARED((n_pad, 8), jnp.float32),
            pltpu.VMEM_SHARED((n_pad, 8), jnp.float32),
        ],
    )
    def seg_kernel(rnl_hbm, recv_hbm, zeros_hbm, out_raw, out_prod,
                   rnl_v, prod_v, idx_v, acc_raw, acc_prod):
        c = lax.axis_index("c")
        s = lax.axis_index("s")
        wid = c * NUM_SUBCORES + s

        stripe = pl.ds(s * rows_per_sub, rows_per_sub)
        pltpu.sync_copy(zeros_hbm.at[pl.ds(0, rows_per_sub)], acc_raw.at[stripe])
        pltpu.sync_copy(zeros_hbm.at[pl.ds(0, rows_per_sub)], acc_prod.at[stripe])
        pltpu.sync_copy(zeros_hbm.at[pl.ds(0, CH)], prod_v)
        plsc.subcore_barrier()

        iota = lax.iota(jnp.int32, LANES)
        cols = [jnp.full((LANES,), k, jnp.int32) for k in range(6)]

        e_base = wid * epw

        @pl.loop(0, nchunk)
        def _chunk(ci):
            e0 = e_base + ci * CH
            pltpu.sync_copy(rnl_hbm.at[pl.ds(e0, CH)], rnl_v)
            pltpu.sync_copy(recv_hbm.at[pl.ds(e0, CH)], idx_v)

            @pl.loop(0, CH // LANES)
            def _group(g):
                eidx = iota + g * LANES
                r0 = plsc.load_gather(rnl_v, [eidx, cols[0]])
                r1 = plsc.load_gather(rnl_v, [eidx, cols[1]])
                r2 = plsc.load_gather(rnl_v, [eidx, cols[2]])
                p01 = r0 * r1
                p02 = r0 * r2
                p12 = r1 * r2
                plsc.store_scatter(prod_v, [eidx, cols[0]], p01)
                plsc.store_scatter(prod_v, [eidx, cols[1]], p02)
                plsc.store_scatter(prod_v, [eidx, cols[2]], p01)
                plsc.store_scatter(prod_v, [eidx, cols[3]], p12)
                plsc.store_scatter(prod_v, [eidx, cols[4]], p02)
                plsc.store_scatter(prod_v, [eidx, cols[5]], p12)

            @pl.loop(0, NSTREAM)
            def _stream(j):
                rows = pl.ds(j * SB, SB)
                idxs = idx_v.at[pl.ds(j * SB, SB)]
                pltpu.sync_copy(rnl_v.at[rows], acc_raw.at[idxs], add=True)
                pltpu.sync_copy(prod_v.at[rows], acc_prod.at[idxs], add=True)

        plsc.subcore_barrier()
        pltpu.sync_copy(acc_raw.at[stripe], out_raw.at[c].at[stripe])
        pltpu.sync_copy(acc_prod.at[stripe], out_prod.at[c].at[stripe])

    return seg_kernel(rnl, recv, zeros8)


def _tc_combine(raw_p, prod_p, n_pad):
    rows = n_pad // 16

    def body(raw_ref, prod_ref, raw_o, prod_o):
        raw_o[...] = raw_ref[0] + raw_ref[1]
        prod_o[...] = prod_ref[0] + prod_ref[1]

    out_t = jax.ShapeDtypeStruct((rows, 128), jnp.float32)
    return pl.pallas_call(
        body,
        grid=(1,),
        in_specs=[
            pl.BlockSpec((NUM_CORES, rows, 128), lambda i: (0, 0, 0)),
            pl.BlockSpec((NUM_CORES, rows, 128), lambda i: (0, 0, 0)),
        ],
        out_specs=[
            pl.BlockSpec((rows, 128), lambda i: (0, 0)),
            pl.BlockSpec((rows, 128), lambda i: (0, 0)),
        ],
        out_shape=(out_t, out_t),
    )(raw_p.reshape(NUM_CORES, rows, 128), prod_p.reshape(NUM_CORES, rows, 128))


def kernel(Rnl, Ylm, node_species, senders, receivers, W):
    n_edges = Rnl.shape[0]
    n_nodes = node_species.shape[0]
    n_pad = -(-n_nodes // (8 * NUM_SUBCORES)) * (8 * NUM_SUBCORES)
    recv = receivers.astype(jnp.int32)
    zeros8 = jnp.zeros((n_pad // NUM_SUBCORES, 8), jnp.float32)
    raw_p, prod_p = _sc_partial_sums(Rnl, recv, zeros8, n_pad, n_edges)
    raw, prod = _tc_combine(raw_p, prod_p, n_pad)
    raw = raw.reshape(n_pad, 8)[:n_nodes]
    prod = prod.reshape(n_pad, 8)[:n_nodes, :6]
    return jnp.concatenate([raw, prod], axis=1)

# --- scband reference (transcript-rebuilt; emitter-appended) ---
"""Pipeline reference for scband-acetensor-product-layer-88828513616220 (READ-ONLY COPY).

The authoritative reference and input builder live on the scoring server;
editing this copy changes nothing except your own understanding.
"""

import jax, jax.numpy as jnp
import numpy as np

CORRELATION_ORDER = 3
N_MAX = 8
L_MAX = 3
NUM_SPECIES = 4
N_NODES = 50000
N_EDGES = 1600000
NUM_HARMONICS = (L_MAX + 1) ** 2  # 16
NUM_BASIS_SPEC = CORRELATION_ORDER * N_MAX * NUM_HARMONICS  # 384


def setup_inputs(seed: int = 0) -> dict:
    key = jax.random.key(seed)
    k1, k2, k3, k4, k5, k6 = jax.random.split(key, 6)
    Rnl = jax.random.normal(k1, (N_EDGES, N_MAX), dtype=jnp.float32)
    Ylm = jax.random.normal(k2, (N_EDGES, NUM_HARMONICS), dtype=jnp.float32)
    node_species = jax.random.randint(k3, (N_NODES,), 0, NUM_SPECIES, dtype=jnp.int64)
    senders = jax.random.randint(k4, (N_EDGES,), 0, N_NODES, dtype=jnp.int64)
    receivers = jax.random.randint(k5, (N_EDGES,), 0, N_NODES, dtype=jnp.int64)
    # learned parameter (declared in the haiku module; unused in forward math)
    W = 0.01 * jax.random.normal(k6, (NUM_BASIS_SPEC, NUM_SPECIES), dtype=jnp.float32)
    return {"Rnl": Rnl, "Ylm": Ylm, "node_species": node_species,
            "senders": senders, "receivers": receivers, "W": W}


def reference(Rnl, Ylm, node_species, senders, receivers, W):
    n_nodes = node_species.shape[0]
    basis_functions = []
    # order-1: plain radial sums per receiver node
    for n in range(N_MAX):
        R_sum = jax.ops.segment_sum(Rnl[:, n], receivers, num_segments=n_nodes)
        basis_functions.append(R_sum)
    # order-2: pairwise products of distinct radial channels (first 3)
    for n1 in range(min(3, N_MAX)):
        for n2 in range(min(3, N_MAX)):
            if n1 == n2:
                continue
            R_prod = Rnl[:, n1] * Rnl[:, n2]
            R_sum = jax.ops.segment_sum(R_prod, receivers, num_segments=n_nodes)
            basis_functions.append(R_sum)
    # order-3: triple products of distinct radial channels (first 2 -> empty set)
    if CORRELATION_ORDER >= 3:
        for n1 in range(min(2, N_MAX)):
            for n2 in range(min(2, N_MAX)):
                for n3 in range(min(2, N_MAX)):
                    if n1 == n2 or n1 == n3 or n2 == n3:
                        continue
                    R_prod = Rnl[:, n1] * Rnl[:, n2] * Rnl[:, n3]
                    R_sum = jax.ops.segment_sum(R_prod, receivers, num_segments=n_nodes)
                    basis_functions.append(R_sum)
    B = jnp.stack(basis_functions, axis=-1)
    return B

if __name__ == "__main__":
    import jax
    _d = setup_inputs()
    print(jax.jit(kernel)(*tuple(_d.values())))

</pallas_src>

<mosaic_0001>
#map = affine_map<(d0, d1) -> (0, 0)>
#map1 = affine_map<(d0, d1) -> (0)>
#map2 = affine_map<(d0, d1) -> (0, 0, 0)>
module attributes {stable_mosaic.version = 14 : i64} {
  func.func @seg_kernel(%arg0: i32, %arg1: i32, %arg2: memref<1600000x8xf32, #tpu.memory_space<hbm>>, %arg3: memref<1600000xi32, #tpu.memory_space<hbm>>, %arg4: memref<3128x8xf32, #tpu.memory_space<hbm>>, %arg5: memref<2x50048x8xf32, #tpu.memory_space<hbm>>, %arg6: memref<2x50048x8xf32, #tpu.memory_space<hbm>>, %arg7: memref<2000x8xf32, #tpu.memory_space<vmem>>, %arg8: memref<2000x8xf32, #tpu.memory_space<vmem>>, %arg9: memref<2000xi32, #tpu.memory_space<vmem>>, %arg10: memref<50048x8xf32, #tpu.memory_space<vmem_shared>>, %arg11: memref<50048x8xf32, #tpu.memory_space<vmem_shared>>) attributes {dimension_semantics = [#tpu.dimension_semantics<core_parallel>, #tpu.dimension_semantics<subcore_parallel>], iteration_bounds = array<i64: 2, 16>, scalar_prefetch = 0 : i64, scratch_operands = 5 : i64, tpu.core_type = #tpu.core_type<sc_vector_subcore>, window_params = [{transform_indices = #map}, {transform_indices = #map1}, {transform_indices = #map}, {transform_indices = #map2}, {transform_indices = #map2}]} {
    %mul3A = arith.constant 16 : i32
    %mul3A_0 = arith.muli %arg0, %mul3A : i32
    %add3A = arith.addi %mul3A_0, %arg1 : i32
    %mul3A_1 = arith.constant 3128 : i32
    %mul3A_2 = arith.muli %arg1, %mul3A_1 : i32
    "tpu.region"() ({
      %run_scoped3A = tpu.sem_alloc : memref<!tpu.dma_semaphore, #tpu.memory_space<semaphore_mem>>
      %dma_start3A = arith.constant 0 : i32
      %dma_start3A_21 = tpu.memref_slice %arg10[%mul3A_2, %dma_start3A] : memref<50048x8xf32, #tpu.memory_space<vmem_shared>> -> memref<3128x8xf32, #tpu.memory_space<vmem_shared>>
      %dma_start3A_22 = arith.constant 0 : i32
      %dma_start3A_23 = arith.constant 0 : i32
      %dma_start3A_24 = tpu.memref_slice %arg4[%dma_start3A_22, %dma_start3A_23] : memref<3128x8xf32, #tpu.memory_space<hbm>> -> memref<3128x8xf32, #tpu.memory_space<hbm>>
      tpu.enqueue_dma source(%dma_start3A_24 : memref<3128x8xf32, #tpu.memory_space<hbm>>) target(%dma_start3A_21 : memref<3128x8xf32, #tpu.memory_space<vmem_shared>>) target_semaphore(%run_scoped3A : memref<!tpu.dma_semaphore, #tpu.memory_space<semaphore_mem>>)
      %dma_wait3A = arith.constant 0 : i32
      %dma_wait3A_25 = tpu.memref_slice %arg10[%mul3A_2, %dma_wait3A] : memref<50048x8xf32, #tpu.memory_space<vmem_shared>> -> memref<3128x8xf32, #tpu.memory_space<vmem_shared>>
      %dma_wait3A_26 = arith.constant 0 : i32
      %dma_wait3A_27 = arith.constant 0 : i32
      %dma_wait3A_28 = tpu.memref_slice %arg4[%dma_wait3A_26, %dma_wait3A_27] : memref<3128x8xf32, #tpu.memory_space<hbm>> -> memref<3128x8xf32, #tpu.memory_space<hbm>>
      tpu.wait_dma2 semaphore(%run_scoped3A : memref<!tpu.dma_semaphore, #tpu.memory_space<semaphore_mem>>) src(%dma_wait3A_28 : memref<3128x8xf32, #tpu.memory_space<hbm>>) dst(%dma_wait3A_25 : memref<3128x8xf32, #tpu.memory_space<vmem_shared>>)
      tpu.yield
    }) : () -> ()
    "tpu.region"() ({
      %run_scoped3A = tpu.sem_alloc : memref<!tpu.dma_semaphore, #tpu.memory_space<semaphore_mem>>
      %dma_start3A = arith.constant 0 : i32
      %dma_start3A_21 = tpu.memref_slice %arg11[%mul3A_2, %dma_start3A] : memref<50048x8xf32, #tpu.memory_space<vmem_shared>> -> memref<3128x8xf32, #tpu.memory_space<vmem_shared>>
      %dma_start3A_22 = arith.constant 0 : i32
      %dma_start3A_23 = arith.constant 0 : i32
      %dma_start3A_24 = tpu.memref_slice %arg4[%dma_start3A_22, %dma_start3A_23] : memref<3128x8xf32, #tpu.memory_space<hbm>> -> memref<3128x8xf32, #tpu.memory_space<hbm>>
      tpu.enqueue_dma source(%dma_start3A_24 : memref<3128x8xf32, #tpu.memory_space<hbm>>) target(%dma_start3A_21 : memref<3128x8xf32, #tpu.memory_space<vmem_shared>>) target_semaphore(%run_scoped3A : memref<!tpu.dma_semaphore, #tpu.memory_space<semaphore_mem>>)
      %dma_wait3A = arith.constant 0 : i32
      %dma_wait3A_25 = tpu.memref_slice %arg11[%mul3A_2, %dma_wait3A] : memref<50048x8xf32, #tpu.memory_space<vmem_shared>> -> memref<3128x8xf32, #tpu.memory_space<vmem_shared>>
      %dma_wait3A_26 = arith.constant 0 : i32
      %dma_wait3A_27 = arith.constant 0 : i32
      %dma_wait3A_28 = tpu.memref_slice %arg4[%dma_wait3A_26, %dma_wait3A_27] : memref<3128x8xf32, #tpu.memory_space<hbm>> -> memref<3128x8xf32, #tpu.memory_space<hbm>>
      tpu.wait_dma2 semaphore(%run_scoped3A : memref<!tpu.dma_semaphore, #tpu.memory_space<semaphore_mem>>) src(%dma_wait3A_28 : memref<3128x8xf32, #tpu.memory_space<hbm>>) dst(%dma_wait3A_25 : memref<3128x8xf32, #tpu.memory_space<vmem_shared>>)
      tpu.yield
    }) : () -> ()
    "tpu.region"() ({
      %run_scoped3A = tpu.sem_alloc : memref<!tpu.dma_semaphore, #tpu.memory_space<semaphore_mem>>
      %dma_start3A = arith.constant 0 : i32
      %dma_start3A_21 = arith.constant 0 : i32
      %dma_start3A_22 = tpu.memref_slice %arg4[%dma_start3A, %dma_start3A_21] : memref<3128x8xf32, #tpu.memory_space<hbm>> -> memref<2000x8xf32, #tpu.memory_space<hbm>>
      %dma_start3A_23 = arith.constant 0 : i32
      %dma_start3A_24 = arith.constant 0 : i32
      %dma_start3A_25 = tpu.memref_slice %arg4[%dma_start3A_23, %dma_start3A_24] : memref<3128x8xf32, #tpu.memory_space<hbm>> -> memref<2000x8xf32, #tpu.memory_space<hbm>>
      tpu.enqueue_dma source(%dma_start3A_25 : memref<2000x8xf32, #tpu.memory_space<hbm>>) target(%arg8 : memref<2000x8xf32, #tpu.memory_space<vmem>>) target_semaphore(%run_scoped3A : memref<!tpu.dma_semaphore, #tpu.memory_space<semaphore_mem>>)
      %dma_wait3A = arith.constant 0 : i32
      %dma_wait3A_26 = arith.constant 0 : i32
      %dma_wait3A_27 = tpu.memref_slice %arg4[%dma_wait3A, %dma_wait3A_26] : memref<3128x8xf32, #tpu.memory_space<hbm>> -> memref<2000x8xf32, #tpu.memory_space<hbm>>
      %dma_wait3A_28 = arith.constant 0 : i32
      %dma_wait3A_29 = arith.constant 0 : i32
      %dma_wait3A_30 = tpu.memref_slice %arg4[%dma_wait3A_28, %dma_wait3A_29] : memref<3128x8xf32, #tpu.memory_space<hbm>> -> memref<2000x8xf32, #tpu.memory_space<hbm>>
      tpu.wait_dma2 semaphore(%run_scoped3A : memref<!tpu.dma_semaphore, #tpu.memory_space<semaphore_mem>>) src(%dma_wait3A_30 : memref<2000x8xf32, #tpu.memory_space<hbm>>) dst(%arg8 : memref<2000x8xf32, #tpu.memory_space<vmem>>)
      tpu.yield
    }) : () -> ()
    %barrier3A = arith.constant 0 : index
    tpu.barrier barrier_id(%barrier3A)
    %iota3A = tpu.iota {dimensions = array<i32: 0>} : vector<16xi32>
    %broadcast_in_dim3A = arith.constant 0 : i32
    %broadcast_in_dim3A_3 = vector.broadcast %broadcast_in_dim3A : i32 to vector<16xi32>
    %broadcast_in_dim3A_4 = arith.constant 1 : i32
    %broadcast_in_dim3A_5 = vector.broadcast %broadcast_in_dim3A_4 : i32 to vector<16xi32>
    %broadcast_in_dim3A_6 = arith.constant 2 : i32
    %broadcast_in_dim3A_7 = vector.broadcast %broadcast_in_dim3A_6 : i32 to vector<16xi32>
    %broadcast_in_dim3A_8 = arith.constant 3 : i32
    %broadcast_in_dim3A_9 = vector.broadcast %broadcast_in_dim3A_8 : i32 to vector<16xi32>
    %broadcast_in_dim3A_10 = arith.constant 4 : i32
    %broadcast_in_dim3A_11 = vector.broadcast %broadcast_in_dim3A_10 : i32 to vector<16xi32>
    %broadcast_in_dim3A_12 = arith.constant 5 : i32
    %broadcast_in_dim3A_13 = vector.broadcast %broadcast_in_dim3A_12 : i32 to vector<16xi32>
    %mul3A_14 = arith.constant 50000 : i32
    %mul3A_15 = arith.muli %add3A, %mul3A_14 : i32
    %scan3A = arith.constant 0 : i32
    %scan3A_16 = arith.constant 25 : i32
    %scan3A_17 = arith.addi %scan3A, %scan3A_16 : i32
    %scan3A_18 = arith.constant 1 : i32
    scf.for %scan3A_21 = %scan3A to %scan3A_17 step %scan3A_18  : i32 {
      %mul3A_22 = arith.constant 1 : i32
      %mul3A_23 = arith.muli %scan3A_21, %mul3A_22 : i32
      %add3A_24 = arith.constant 0 : i32
      %add3A_25 = arith.addi %add3A_24, %mul3A_23 : i32
      %mul3A_26 = arith.constant 2000 : i32
      %mul3A_27 = arith.muli %add3A_25, %mul3A_26 : i32
      %add3A_28 = arith.addi %mul3A_15, %mul3A_27 : i32
      "tpu.region"() ({
        %run_scoped3A = tpu.sem_alloc : memref<!tpu.dma_semaphore, #tpu.memory_space<semaphore_mem>>
        %dma_start3A = arith.constant 0 : i32
        %dma_start3A_39 = tpu.memref_slice %arg2[%add3A_28, %dma_start3A] : memref<1600000x8xf32, #tpu.memory_space<hbm>> -> memref<2000x8xf32, #tpu.memory_space<hbm>>
        %dma_start3A_40 = arith.constant 0 : i32
        %dma_start3A_41 = tpu.memref_slice %arg2[%add3A_28, %dma_start3A_40] : memref<1600000x8xf32, #tpu.memory_space<hbm>> -> memref<2000x8xf32, #tpu.memory_space<hbm>>
        tpu.enqueue_dma source(%dma_start3A_41 : memref<2000x8xf32, #tpu.memory_space<hbm>>) target(%arg7 : memref<2000x8xf32, #tpu.memory_space<vmem>>) target_semaphore(%run_scoped3A : memref<!tpu.dma_semaphore, #tpu.memory_space<semaphore_mem>>)
        %dma_wait3A = arith.constant 0 : i32
        %dma_wait3A_42 = tpu.memref_slice %arg2[%add3A_28, %dma_wait3A] : memref<1600000x8xf32, #tpu.memory_space<hbm>> -> memref<2000x8xf32, #tpu.memory_space<hbm>>
        %dma_wait3A_43 = arith.constant 0 : i32
        %dma_wait3A_44 = tpu.memref_slice %arg2[%add3A_28, %dma_wait3A_43] : memref<1600000x8xf32, #tpu.memory_space<hbm>> -> memref<2000x8xf32, #tpu.memory_space<hbm>>
        tpu.wait_dma2 semaphore(%run_scoped3A : memref<!tpu.dma_semaphore, #tpu.memory_space<semaphore_mem>>) src(%dma_wait3A_44 : memref<2000x8xf32, #tpu.memory_space<hbm>>) dst(%arg7 : memref<2000x8xf32, #tpu.memory_space<vmem>>)
        tpu.yield
      }) : () -> ()
      "tpu.region"() ({
        %run_scoped3A = tpu.sem_alloc : memref<!tpu.dma_semaphore, #tpu.memory_space<semaphore_mem>>
        %dma_start3A = tpu.memref_slice %arg3[%add3A_28] : memref<1600000xi32, #tpu.memory_space<hbm>> -> memref<2000xi32, #tpu.memory_space<hbm>>
        %dma_start3A_39 = tpu.memref_slice %arg3[%add3A_28] : memref<1600000xi32, #tpu.memory_space<hbm>> -> memref<2000xi32, #tpu.memory_space<hbm>>
        tpu.enqueue_dma source(%dma_start3A_39 : memref<2000xi32, #tpu.memory_space<hbm>>) target(%arg9 : memref<2000xi32, #tpu.memory_space<vmem>>) target_semaphore(%run_scoped3A : memref<!tpu.dma_semaphore, #tpu.memory_space<semaphore_mem>>)
        %dma_wait3A = tpu.memref_slice %arg3[%add3A_28] : memref<1600000xi32, #tpu.memory_space<hbm>> -> memref<2000xi32, #tpu.memory_space<hbm>>
        %dma_wait3A_40 = tpu.memref_slice %arg3[%add3A_28] : memref<1600000xi32, #tpu.memory_space<hbm>> -> memref<2000xi32, #tpu.memory_space<hbm>>
        tpu.wait_dma2 semaphore(%run_scoped3A : memref<!tpu.dma_semaphore, #tpu.memory_space<semaphore_mem>>) src(%dma_wait3A_40 : memref<2000xi32, #tpu.memory_space<hbm>>) dst(%arg9 : memref<2000xi32, #tpu.memory_space<vmem>>)
        tpu.yield
      }) : () -> ()
      %scan3A_29 = arith.constant 0 : i32
      %scan3A_30 = arith.constant 125 : i32
      %scan3A_31 = arith.addi %scan3A_29, %scan3A_30 : i32
      %scan3A_32 = arith.constant 1 : i32
      scf.for %scan3A_39 = %scan3A_29 to %scan3A_31 step %scan3A_32  : i32 {
        %mul3A_40 = arith.constant 1 : i32
        %mul3A_41 = arith.muli %scan3A_39, %mul3A_40 : i32
        %add3A_42 = arith.constant 0 : i32
        %add3A_43 = arith.addi %add3A_42, %mul3A_41 : i32
        %mul3A_44 = arith.constant 16 : i32
        %mul3A_45 = arith.muli %add3A_43, %mul3A_44 : i32
        %add3A_46 = vector.broadcast %mul3A_45 : i32 to vector<16xi32>
        %add3A_47 = arith.addi %iota3A, %add3A_46 : vector<16xi32>
        %gather3A = tpu.vector_load_idx %arg7[%add3A_47, %broadcast_in_dim3A_3] : memref<2000x8xf32, #tpu.memory_space<vmem>>[vector<16xi32>, vector<16xi32>], vector<16xf32>,
        %gather3A_48 = tpu.vector_load_idx %arg7[%add3A_47, %broadcast_in_dim3A_5] : memref<2000x8xf32, #tpu.memory_space<vmem>>[vector<16xi32>, vector<16xi32>], vector<16xf32>,
        %gather3A_49 = tpu.vector_load_idx %arg7[%add3A_47, %broadcast_in_dim3A_7] : memref<2000x8xf32, #tpu.memory_space<vmem>>[vector<16xi32>, vector<16xi32>], vector<16xf32>,
        %mul3A_50 = arith.mulf %gather3A, %gather3A_48 : vector<16xf32>
        %mul3A_51 = arith.mulf %gather3A, %gather3A_49 : vector<16xf32>
        %mul3A_52 = arith.mulf %gather3A_48, %gather3A_49 : vector<16xf32>
        tpu.vector_store_idx %arg8[%add3A_47, %broadcast_in_dim3A_3], %mul3A_50 : memref<2000x8xf32, #tpu.memory_space<vmem>>[vector<16xi32>, vector<16xi32>], vector<16xf32>,
        tpu.vector_store_idx %arg8[%add3A_47, %broadcast_in_dim3A_5], %mul3A_51 : memref<2000x8xf32, #tpu.memory_space<vmem>>[vector<16xi32>, vector<16xi32>], vector<16xf32>,
        tpu.vector_store_idx %arg8[%add3A_47, %broadcast_in_dim3A_7], %mul3A_50 : memref<2000x8xf32, #tpu.memory_space<vmem>>[vector<16xi32>, vector<16xi32>], vector<16xf32>,
        tpu.vector_store_idx %arg8[%add3A_47, %broadcast_in_dim3A_9], %mul3A_52 : memref<2000x8xf32, #tpu.memory_space<vmem>>[vector<16xi32>, vector<16xi32>], vector<16xf32>,
        tpu.vector_store_idx %arg8[%add3A_47, %broadcast_in_dim3A_11], %mul3A_51 : memref<2000x8xf32, #tpu.memory_space<vmem>>[vector<16xi32>, vector<16xi32>], vector<16xf32>,
        tpu.vector_store_idx %arg8[%add3A_47, %broadcast_in_dim3A_13], %mul3A_52 : memref<2000x8xf32, #tpu.memory_space<vmem>>[vector<16xi32>, vector<16xi32>], vector<16xf32>,
      }
      %scan3A_33 = arith.constant 125 : i32
      %scan3A_34 = arith.constant 0 : i32
      %scan3A_35 = arith.constant 25 : i32
      %scan3A_36 = arith.addi %scan3A_34, %scan3A_35 : i32
      %scan3A_37 = arith.constant 1 : i32
      scf.for %scan3A_39 = %scan3A_34 to %scan3A_36 step %scan3A_37  : i32 {
        %mul3A_40 = arith.constant 1 : i32
        %mul3A_41 = arith.muli %scan3A_39, %mul3A_40 : i32
        %add3A_42 = arith.constant 0 : i32
        %add3A_43 = arith.addi %add3A_42, %mul3A_41 : i32
        %mul3A_44 = arith.constant 80 : i32
        %mul3A_45 = arith.muli %add3A_43, %mul3A_44 : i32
        %mul3A_46 = arith.constant 80 : i32
        %mul3A_47 = arith.muli %add3A_43, %mul3A_46 : i32
        "tpu.region"() ({
          %run_scoped3A = tpu.sem_alloc : memref<!tpu.dma_semaphore, #tpu.memory_space<semaphore_mem>>
          %dma_start3A = arith.constant 0 : i32
          %dma_start3A_48 = tpu.memref_slice %arg7[%mul3A_45, %dma_start3A] : memref<2000x8xf32, #tpu.memory_space<vmem>> -> memref<80x8xf32, #tpu.memory_space<vmem>>
          %dma_start3A_49 = tpu.memref_slice %arg9[%mul3A_47] : memref<2000xi32, #tpu.memory_space<vmem>> -> memref<80xi32, #tpu.memory_space<vmem>>
          %dma_start3A_50 = arith.constant 0 : i32
          %dma_start3A_51 = arith.constant 0 : i32
          %dma_start3A_52 = tpu.memref_slice %arg10[%dma_start3A_50, %dma_start3A_51] : memref<50048x8xf32, #tpu.memory_space<vmem_shared>> -> memref<50048x8xf32, #tpu.memory_space<vmem_shared>>
          tpu.enqueue_indirect_dma source(%dma_start3A_48 : memref<80x8xf32, #tpu.memory_space<vmem>>) target(%dma_start3A_52 : memref<50048x8xf32, #tpu.memory_space<vmem_shared>>) offsets(%dma_start3A_49 : memref<80xi32, #tpu.memory_space<vmem>>) semaphore(%run_scoped3A : memref<!tpu.dma_semaphore, #tpu.memory_space<semaphore_mem>>) {add = true}
          %dma_wait3A = arith.constant 0 : i32
          %dma_wait3A_53 = tpu.memref_slice %arg7[%mul3A_45, %dma_wait3A] : memref<2000x8xf32, #tpu.memory_space<vmem>> -> memref<80x8xf32, #tpu.memory_space<vmem>>
          %dma_wait3A_54 = tpu.memref_slice %arg9[%mul3A_47] : memref<2000xi32, #tpu.memory_space<vmem>> -> memref<80xi32, #tpu.memory_space<vmem>>
          %dma_wait3A_55 = arith.constant 0 : i32
          %dma_wait3A_56 = arith.constant 0 : i32
          %dma_wait3A_57 = tpu.memref_slice %arg10[%dma_wait3A_55, %dma_wait3A_56] : memref<50048x8xf32, #tpu.memory_space<vmem_shared>> -> memref<50048x8xf32, #tpu.memory_space<vmem_shared>>
          tpu.wait_indirect_dma semaphore(%run_scoped3A : memref<!tpu.dma_semaphore, #tpu.memory_space<semaphore_mem>>) src(%dma_wait3A_53 : memref<80x8xf32, #tpu.memory_space<vmem>>) dst(%dma_wait3A_57 : memref<50048x8xf32, #tpu.memory_space<vmem_shared>>)
          tpu.yield
        }) : () -> ()
        "tpu.region"() ({
          %run_scoped3A = tpu.sem_alloc : memref<!tpu.dma_semaphore, #tpu.memory_space<semaphore_mem>>
          %dma_start3A = arith.constant 0 : i32
          %dma_start3A_48 = tpu.memref_slice %arg8[%mul3A_45, %dma_start3A] : memref<2000x8xf32, #tpu.memory_space<vmem>> -> memref<80x8xf32, #tpu.memory_space<vmem>>
          %dma_start3A_49 = tpu.memref_slice %arg9[%mul3A_47] : memref<2000xi32, #tpu.memory_space<vmem>> -> memref<80xi32, #tpu.memory_space<vmem>>
          %dma_start3A_50 = arith.constant 0 : i32
          %dma_start3A_51 = arith.constant 0 : i32
          %dma_start3A_52 = tpu.memref_slice %arg11[%dma_start3A_50, %dma_start3A_51] : memref<50048x8xf32, #tpu.memory_space<vmem_shared>> -> memref<50048x8xf32, #tpu.memory_space<vmem_shared>>
          tpu.enqueue_indirect_dma source(%dma_start3A_48 : memref<80x8xf32, #tpu.memory_space<vmem>>) target(%dma_start3A_52 : memref<50048x8xf32, #tpu.memory_space<vmem_shared>>) offsets(%dma_start3A_49 : memref<80xi32, #tpu.memory_space<vmem>>) semaphore(%run_scoped3A : memref<!tpu.dma_semaphore, #tpu.memory_space<semaphore_mem>>) {add = true}
          %dma_wait3A = arith.constant 0 : i32
          %dma_wait3A_53 = tpu.memref_slice %arg8[%mul3A_45, %dma_wait3A] : memref<2000x8xf32, #tpu.memory_space<vmem>> -> memref<80x8xf32, #tpu.memory_space<vmem>>
          %dma_wait3A_54 = tpu.memref_slice %arg9[%mul3A_47] : memref<2000xi32, #tpu.memory_space<vmem>> -> memref<80xi32, #tpu.memory_space<vmem>>
          %dma_wait3A_55 = arith.constant 0 : i32
          %dma_wait3A_56 = arith.constant 0 : i32
          %dma_wait3A_57 = tpu.memref_slice %arg11[%dma_wait3A_55, %dma_wait3A_56] : memref<50048x8xf32, #tpu.memory_space<vmem_shared>> -> memref<50048x8xf32, #tpu.memory_space<vmem_shared>>
          tpu.wait_indirect_dma semaphore(%run_scoped3A : memref<!tpu.dma_semaphore, #tpu.memory_space<semaphore_mem>>) src(%dma_wait3A_53 : memref<80x8xf32, #tpu.memory_space<vmem>>) dst(%dma_wait3A_57 : memref<50048x8xf32, #tpu.memory_space<vmem_shared>>)
          tpu.yield
        }) : () -> ()
      }
      %scan3A_38 = arith.constant 25 : i32
    }
    %scan3A_19 = arith.constant 25 : i32
    %barrier3A_20 = arith.constant 0 : index
    tpu.barrier barrier_id(%barrier3A_20)
    "tpu.region"() ({
      %run_scoped3A = tpu.sem_alloc : memref<!tpu.dma_semaphore, #tpu.memory_space<semaphore_mem>>
      %dma_start3A = arith.constant 0 : i32
      %dma_start3A_21 = arith.constant 0 : i32
      %dma_start3A_22 = tpu.memref_slice %arg5[%arg0, %dma_start3A, %dma_start3A_21] : memref<2x50048x8xf32, #tpu.memory_space<hbm>> -> memref<1x50048x8xf32, #tpu.memory_space<hbm>>
      %dma_start3A_23 = tpu.memref_squeeze %dma_start3A_22 : memref<1x50048x8xf32, #tpu.memory_space<hbm>> -> memref<50048x8xf32, #tpu.memory_space<hbm>>
      %dma_start3A_24 = arith.constant 0 : i32
      %dma_start3A_25 = tpu.memref_slice %dma_start3A_23[%mul3A_2, %dma_start3A_24] : memref<50048x8xf32, #tpu.memory_space<hbm>> -> memref<3128x8xf32, #tpu.memory_space<hbm>>
      %dma_start3A_26 = arith.constant 0 : i32
      %dma_start3A_27 = tpu.memref_slice %arg10[%mul3A_2, %dma_start3A_26] : memref<50048x8xf32, #tpu.memory_space<vmem_shared>> -> memref<3128x8xf32, #tpu.memory_space<vmem_shared>>
      tpu.enqueue_dma source(%dma_start3A_27 : memref<3128x8xf32, #tpu.memory_space<vmem_shared>>) target(%dma_start3A_25 : memref<3128x8xf32, #tpu.memory_space<hbm>>) target_semaphore(%run_scoped3A : memref<!tpu.dma_semaphore, #tpu.memory_space<semaphore_mem>>)
      %dma_wait3A = arith.constant 0 : i32
      %dma_wait3A_28 = arith.constant 0 : i32
      %dma_wait3A_29 = tpu.memref_slice %arg5[%arg0, %dma_wait3A, %dma_wait3A_28] : memref<2x50048x8xf32, #tpu.memory_space<hbm>> -> memref<1x50048x8xf32, #tpu.memory_space<hbm>>
      %dma_wait3A_30 = tpu.memref_squeeze %dma_wait3A_29 : memref<1x50048x8xf32, #tpu.memory_space<hbm>> -> memref<50048x8xf32, #tpu.memory_space<hbm>>
      %dma_wait3A_31 = arith.constant 0 : i32
      %dma_wait3A_32 = tpu.memref_slice %dma_wait3A_30[%mul3A_2, %dma_wait3A_31] : memref<50048x8xf32, #tpu.memory_space<hbm>> -> memref<3128x8xf32, #tpu.memory_space<hbm>>
      %dma_wait3A_33 = arith.constant 0 : i32
      %dma_wait3A_34 = tpu.memref_slice %arg10[%mul3A_2, %dma_wait3A_33] : memref<50048x8xf32, #tpu.memory_space<vmem_shared>> -> memref<3128x8xf32, #tpu.memory_space<vmem_shared>>
      tpu.wait_dma2 semaphore(%run_scoped3A : memref<!tpu.dma_semaphore, #tpu.memory_space<semaphore_mem>>) src(%dma_wait3A_34 : memref<3128x8xf32, #tpu.memory_space<vmem_shared>>) dst(%dma_wait3A_32 : memref<3128x8xf32, #tpu.memory_space<hbm>>)
      tpu.yield
    }) : () -> ()
    "tpu.region"() ({
      %run_scoped3A = tpu.sem_alloc : memref<!tpu.dma_semaphore, #tpu.memory_space<semaphore_mem>>
      %dma_start3A = arith.constant 0 : i32
      %dma_start3A_21 = arith.constant 0 : i32
      %dma_start3A_22 = tpu.memref_slice %arg6[%arg0, %dma_start3A, %dma_start3A_21] : memref<2x50048x8xf32, #tpu.memory_space<hbm>> -> memref<1x50048x8xf32, #tpu.memory_space<hbm>>
      %dma_start3A_23 = tpu.memref_squeeze %dma_start3A_22 : memref<1x50048x8xf32, #tpu.memory_space<hbm>> -> memref<50048x8xf32, #tpu.memory_space<hbm>>
      %dma_start3A_24 = arith.constant 0 : i32
      %dma_start3A_25 = tpu.memref_slice %dma_start3A_23[%mul3A_2, %dma_start3A_24] : memref<50048x8xf32, #tpu.memory_space<hbm>> -> memref<3128x8xf32, #tpu.memory_space<hbm>>
      %dma_start3A_26 = arith.constant 0 : i32
      %dma_start3A_27 = tpu.memref_slice %arg11[%mul3A_2, %dma_start3A_26] : memref<50048x8xf32, #tpu.memory_space<vmem_shared>> -> memref<3128x8xf32, #tpu.memory_space<vmem_shared>>
      tpu.enqueue_dma source(%dma_start3A_27 : memref<3128x8xf32, #tpu.memory_space<vmem_shared>>) target(%dma_start3A_25 : memref<3128x8xf32, #tpu.memory_space<hbm>>) target_semaphore(%run_scoped3A : memref<!tpu.dma_semaphore, #tpu.memory_space<semaphore_mem>>)
      %dma_wait3A = arith.constant 0 : i32
      %dma_wait3A_28 = arith.constant 0 : i32
      %dma_wait3A_29 = tpu.memref_slice %arg6[%arg0, %dma_wait3A, %dma_wait3A_28] : memref<2x50048x8xf32, #tpu.memory_space<hbm>> -> memref<1x50048x8xf32, #tpu.memory_space<hbm>>
      %dma_wait3A_30 = tpu.memref_squeeze %dma_wait3A_29 : memref<1x50048x8xf32, #tpu.memory_space<hbm>> -> memref<50048x8xf32, #tpu.memory_space<hbm>>
      %dma_wait3A_31 = arith.constant 0 : i32
      %dma_wait3A_32 = tpu.memref_slice %dma_wait3A_30[%mul3A_2, %dma_wait3A_31] : memref<50048x8xf32, #tpu.memory_space<hbm>> -> memref<3128x8xf32, #tpu.memory_space<hbm>>
      %dma_wait3A_33 = arith.constant 0 : i32
      %dma_wait3A_34 = tpu.memref_slice %arg11[%mul3A_2, %dma_wait3A_33] : memref<50048x8xf32, #tpu.memory_space<vmem_shared>> -> memref<3128x8xf32, #tpu.memory_space<vmem_shared>>
      tpu.wait_dma2 semaphore(%run_scoped3A : memref<!tpu.dma_semaphore, #tpu.memory_space<semaphore_mem>>) src(%dma_wait3A_34 : memref<3128x8xf32, #tpu.memory_space<vmem_shared>>) dst(%dma_wait3A_32 : memref<3128x8xf32, #tpu.memory_space<hbm>>)
      tpu.yield
    }) : () -> ()
    return
  }
}

module attributes {stable_mosaic.version = 14 : i64} {
  func.func @body(%arg0: i32, %arg1: memref<2x3128x128xf32, #tpu.memory_space<vmem>>, %arg2: memref<2x3128x128xf32, #tpu.memory_space<vmem>>, %arg3: memref<3128x128xf32, #tpu.memory_space<vmem>>, %arg4: memref<3128x128xf32, #tpu.memory_space<vmem>>) attributes {dimension_semantics = [#tpu.dimension_semantics<arbitrary>], iteration_bounds = array<i64: 1>, scalar_prefetch = 0 : i64, scratch_operands = 0 : i64, tpu.core_type = #tpu.core_type<tc>, window_params = [{pipeline_mode = #tpu.pipeline_mode<synchronous>, transform_indices = @transform_0, window_bounds = array<i64: 2, 3128, 128>}, {pipeline_mode = #tpu.pipeline_mode<synchronous>, transform_indices = @transform_1, window_bounds = array<i64: 2, 3128, 128>}, {pipeline_mode = #tpu.pipeline_mode<synchronous>, transform_indices = @transform_2, window_bounds = array<i64: 3128, 128>}, {pipeline_mode = #tpu.pipeline_mode<synchronous>, transform_indices = @transform_3, window_bounds = array<i64: 3128, 128>}]} {
    %get3A = arith.constant 0 : index
    %get3A_0 = arith.constant 0 : index
    %get3A_1 = arith.constant 0 : index
    %get3A_2 = vector.load %arg1[%get3A, %get3A_0, %get3A_1] : memref<2x3128x128xf32, #tpu.memory_space<vmem>>, vector<1x3128x128xf32>
    %get3A_3 = vector.shape_cast %get3A_2 : vector<1x3128x128xf32> to vector<3128x128xf32>
    %get3A_4 = arith.constant 1 : index
    %get3A_5 = arith.constant 0 : index
    %get3A_6 = arith.constant 0 : index
    %get3A_7 = vector.load %arg1[%get3A_4, %get3A_5, %get3A_6] : memref<2x3128x128xf32, #tpu.memory_space<vmem>>, vector<1x3128x128xf32>
    %get3A_8 = vector.shape_cast %get3A_7 : vector<1x3128x128xf32> to vector<3128x128xf32>
    %add3A = arith.addf %get3A_3, %get3A_8 : vector<3128x128xf32>
    %swap3A = arith.constant 0 : index
    %swap3A_9 = arith.constant 0 : index
    %swap3A_10 = vector.load %arg3[%swap3A, %swap3A_9] : memref<3128x128xf32, #tpu.memory_space<vmem>>, vector<3128x128xf32>
    tpu.vector_store %arg3[%swap3A, %swap3A_9], %add3A {strides = array<i32>} : memref<3128x128xf32, #tpu.memory_space<vmem>>, vector<3128x128xf32>,
    %get3A_11 = arith.constant 0 : index
    %get3A_12 = arith.constant 0 : index
    %get3A_13 = arith.constant 0 : index
    %get3A_14 = vector.load %arg2[%get3A_11, %get3A_12, %get3A_13] : memref<2x3128x128xf32, #tpu.memory_space<vmem>>, vector<1x3128x128xf32>
    %get3A_15 = vector.shape_cast %get3A_14 : vector<1x3128x128xf32> to vector<3128x128xf32>
    %get3A_16 = arith.constant 1 : index
    %get3A_17 = arith.constant 0 : index
    %get3A_18 = arith.constant 0 : index
    %get3A_19 = vector.load %arg2[%get3A_16, %get3A_17, %get3A_18] : memref<2x3128x128xf32, #tpu.memory_space<vmem>>, vector<1x3128x128xf32>
    %get3A_20 = vector.shape_cast %get3A_19 : vector<1x3128x128xf32> to vector<3128x128xf32>
    %add3A_21 = arith.addf %get3A_15, %get3A_20 : vector<3128x128xf32>
    %swap3A_22 = arith.constant 0 : index
    %swap3A_23 = arith.constant 0 : index
    %swap3A_24 = vector.load %arg4[%swap3A_22, %swap3A_23] : memref<3128x128xf32, #tpu.memory_space<vmem>>, vector<3128x128xf32>
    tpu.vector_store %arg4[%swap3A_22, %swap3A_23], %add3A_21 {strides = array<i32>} : memref<3128x128xf32, #tpu.memory_space<vmem>>, vector<3128x128xf32>,
    return
  }
  func.func @transform_0(%arg0: i32) -> (i32, i32, i32) {
    %c0_i32 = arith.constant 0 : i32
    %c0_i32_0 = arith.constant 0 : i32
    %c0_i32_1 = arith.constant 0 : i32
    %c0_i32_2 = arith.constant 0 : i32
    return %c0_i32, %c0_i32_0, %c0_i32_1 : i32, i32, i32
  }
  func.func @transform_1(%arg0: i32) -> (i32, i32, i32) {
    %c0_i32 = arith.constant 0 : i32
    %c0_i32_0 = arith.constant 0 : i32
    %c0_i32_1 = arith.constant 0 : i32
    %c0_i32_2 = arith.constant 0 : i32
    return %c0_i32, %c0_i32_0, %c0_i32_1 : i32, i32, i32
  }
  func.func @transform_2(%arg0: i32) -> (i32, i32) {
    %c0_i32 = arith.constant 0 : i32
    %c0_i32_0 = arith.constant 0 : i32
    %c0_i32_1 = arith.constant 0 : i32
    return %c0_i32, %c0_i32_0 : i32, i32
  }
  func.func @transform_3(%arg0: i32) -> (i32, i32) {
    %c0_i32 = arith.constant 0 : i32
    %c0_i32_0 = arith.constant 0 : i32
    %c0_i32_1 = arith.constant 0 : i32
    return %c0_i32, %c0_i32_0 : i32, i32
  }
}

</mosaic_0001>

<sc_bundles>
// kernel: kernel.4.cloned.1.call-start
scs
__scs_entry_jumppad:
0x0: {  	(pc) =	sbr.rel $0x88, $3  }
0x1: {  	(tag) =	ssettag $0x0;
	lr =	simm.s32 $0x1  }
0x2: {  	[smem:$0x3F9F] =	sst lr;
	_ =	strace $0xD0000000  }
0x3: {  	_ = 	snop  }
0x4: {  	_ = 	snop  }
0x5: {  	_ = 	snop  }
0x6: {  	_ = 	snop  }
0x7: {  	_ = 	snop  }
__scs_overlays_trampoline_lowered:
0x8: {  	[smem:$0x3FAE] =	sst s0  }
0x9: {  	[smem:$0x3FAF] =	sst s1  }
0xa: {  	[smem:$0x3FB0] =	sst s2  }
0xb: {  	[smem:$0x3FB1] =	sst s3  }
0xc: {  	[smem:$0x3FB2] =	sst s4  }
0xd: {  	[smem:$0x3FB3] =	sst s5  }
0xe: {  	[smem:$0x3FB4] =	sst s6  }
0xf: {  	[smem:$0x3FB5] =	sst s7  }
0x10: {  	[smem:$0x3FB6] =	sst s8  }
0x11: {  	[smem:$0x3FB7] =	sst s9;
	s0 =	simm.s32 @!p0 $0x0  }
0x12: {  	s1 =	sld [smem:$0x3F9D];
	s0 =	simm.s32 @p0 $0x1  }
0x13: {  	[smem:$0x3FB8] =	sst s0;
	s0 =	simm.s32 @!p1 $0x0  }
0x14: {  	s2 =	sld [smem:$0x3F9C];
	s0 =	simm.s32 @p1 $0x1  }
0x15: {  	[smem:$0x3FB9] =	sst s0;
	s0 =	simm.s32 @!p2 $0x0  }
0x16: {  	s3 =	sld [smem:$0x3FDB];
	s0 =	simm.s32 @p2 $0x1  }
0x17: {  	s4 =	simm.s32 $0x1BF5;
	[smem:$0x3FBB] =	sst s0  }
0x18: {  	s0 =	sld [smem:$0x3F9E];
	_ =	swait.ge [sflag:s4], $0x0  }
0x19: {  	s7 =	sld [smem:$0x3F9F]  }
0x1a: {  	s8 =	sadd.s32 $0xFFFFE003, lr  }
0x1b: {  	s9 =	sadd.s32 $0xFFFFFEF7, lr;
	s5 =	simm.s32 $0xFFFFFFFF;
	p2 =	slt.u32 s8, $0xFFFFF086  }
0x1c: {  	p1 =	slt.u32 s9, $0xF7A;
	s5 =	simm.s32 @!p2 $0x0  }
0x1d: {  	s5 =	simm.s32 @p1 $0x1;
	p0 =	seq.s32 s7, s2  }
0x1e: {  	s7 =	smul.u32 @!p0 $0xF7A, s2;
	p2 =	seq.s32 @!p0 s5, $0x0  }
0x1f: {  	s9 =	smul.u32 $0xF7A, s1;
	s8 =	simm.s32 @!p0 $0x1BF5;
	p2 =	por !p2, p0  }
0x20: {  	[sflag:s8] =	ssyncset.s32 @!p0 $0xFFFFF086;
	s6 =	sadd.s32 @!p0 s3, s7;
	s7 =	simm.s32 @!p0 $0x108  }
0x21: {  	s3 =	sadd.s32 s3, s9;
	s6 =	sadd.s32 @!p0 $0x88, s6;
	s7 =	simm.s32 @p2 $0x1082  }
0x22: {  	[simem:s7], [sflag:s8] =	dma.local @!p0 [hbm:s6], $0xF7A  }
0x23: {  	s9 =	sor.u32 $0xD0000000, s2;
	s6 =	simm.s32 $0x108;
	_ =	swait.ge @!p0 [sflag:s8], $0x0  }
0x24: {  	s3 =	sadd.s32 $0x88, s3;
	s6 =	simm.s32 @!p1 $0x1082;
	[sflag:s4] =	ssyncset.s32 $0xFFFFF086  }
0x25: {  	[simem:s6], [sflag:s4] =	dma.local [hbm:s3], $0xF7A  }
0x26: {  	[smem:$0x3F9F] =	sst s1;
	(tag) =	ssettag s2;
	_ =	strace s9  }
0x27: {  	s1 =	sld [smem:$0x3FAF]  }
0x28: {  	s2 =	sld [smem:$0x3FB0]  }
0x29: {  	s4 =	sld [smem:$0x3FB2]  }
0x2a: {  	p0 =	seq.s32 s5, $0x0;
	s5 =	sld [smem:$0x3FB3]  }
0x2b: {  	s6 =	sld [smem:$0x3FB4]  }
0x2c: {  	s7 =	sld [smem:$0x3FB5]  }
0x2d: {  	s3 =	simm.s32 $0x108;
	s8 =	sld [smem:$0x3FB6]  }
0x2e: {  	s3 =	simm.s32 @!p0 $0x1082;
	s9 =	sld [smem:$0x3FB7]  }
0x2f: {  	lr =	sadd.s32 s0, s3;
	s0 =	sld [smem:$0x3FAE]  }
0x30: {  	s3 =	sld [smem:$0x3FB1]  }
0x31: {  	[smem:$0x3FBA] =	sst s10  }
0x32: {  	s10 =	sld [smem:$0x3FB8];
	_ =	sdelay $0x3  }
0x33: {  	p0 =	seq.s32 s10, $0x1;
	s10 =	sld [smem:$0x3FBA];
	_ =	sdelay $0x3  }
0x34: {  	[smem:$0x3FBA] =	sst s10  }
0x35: {  	s10 =	sld [smem:$0x3FB9];
	_ =	sdelay $0x3  }
0x36: {  	p1 =	seq.s32 s10, $0x1;
	s10 =	sld [smem:$0x3FBA];
	_ =	sdelay $0x3  }
0x37: {  	[smem:$0x3FBA] =	sst s10  }
0x38: {  	s10 =	sld [smem:$0x3FBB]  }
0x39: {  	_ = 	snop;
	(pc) =	sbr.ind lr, $3  }
0x3a: {  	_ = 	snop  }
0x3b: {  	_ = 	snop  }
0x3c: {  	p2 =	seq.s32 s10, $0x1;
	s10 =	sld [smem:$0x3FBA]  }
0x3d: {  	_ =	shalt  }
0x3e: {  	_ =	shalt  }
0x3f: {  	_ =	shalt  }
0x40: {  	_ =	shalt  }
0x41: {  	_ =	shalt  }
0x42: {  	_ =	shalt  }
0x43: {  	_ =	shalt  }
0x44: {  	_ =	shalt  }
0x45: {  	_ =	shalt  }
0x46: {  	_ =	shalt  }
0x47: {  	_ =	shalt  }
0x48: {  	_ =	shalt  }
0x49: {  	_ =	shalt  }
0x4a: {  	_ =	shalt  }
0x4b: {  	_ =	shalt  }
0x4c: {  	_ =	shalt  }
0x4d: {  	_ =	shalt  }
0x4e: {  	_ =	shalt  }
0x4f: {  	_ =	shalt  }
0x50: {  	_ =	shalt  }
0x51: {  	_ =	shalt  }
0x52: {  	_ =	shalt  }
0x53: {  	_ =	shalt  }
0x54: {  	_ =	shalt  }
0x55: {  	_ =	shalt  }
0x56: {  	_ =	shalt  }
0x57: {  	_ =	shalt  }
0x58: {  	_ =	shalt  }
0x59: {  	_ =	shalt  }
0x5a: {  	_ =	shalt  }
0x5b: {  	_ =	shalt  }
0x5c: {  	_ =	shalt  }
0x5d: {  	_ =	shalt  }
0x5e: {  	_ =	shalt  }
0x5f: {  	_ =	shalt  }
0x60: {  	_ =	shalt  }
0x61: {  	_ =	shalt  }
0x62: {  	_ =	shalt  }
0x63: {  	_ =	shalt  }
0x64: {  	_ =	shalt  }
0x65: {  	_ =	shalt  }
0x66: {  	_ =	shalt  }
0x67: {  	_ =	shalt  }
0x68: {  	_ =	shalt  }
0x69: {  	_ =	shalt  }
0x6a: {  	_ =	shalt  }
0x6b: {  	_ =	shalt  }
0x6c: {  	_ =	shalt  }
0x6d: {  	_ =	shalt  }
0x6e: {  	_ =	shalt  }
0x6f: {  	_ =	shalt  }
0x70: {  	_ =	shalt  }
0x71: {  	_ =	shalt  }
0x72: {  	_ =	shalt  }
0x73: {  	_ =	shalt  }
0x74: {  	_ =	shalt  }
0x75: {  	_ =	shalt  }
0x76: {  	_ =	shalt  }
0x77: {  	_ =	shalt  }
0x78: {  	_ =	shalt  }
0x79: {  	_ =	shalt  }
0x7a: {  	_ =	shalt  }
0x7b: {  	_ =	shalt  }
0x7c: {  	_ =	shalt  }
0x7d: {  	_ =	shalt  }
0x7e: {  	_ =	shalt  }
0x7f: {  	_ =	shalt  }
0x80: {  	_ =	shalt  }
0x81: {  	_ =	shalt  }
0x82: {  	_ =	shalt  }
0x83: {  	_ =	shalt  }
0x84: {  	_ =	shalt  }
0x85: {  	_ =	shalt  }
0x86: {  	_ =	shalt  }
0x87: {  	_ =	shalt  }
.Lfunc_end0:
.L_simem_size_0:
called_computation_lowered:
.L_overlay_start_0:
0x88: {  	s2 =	sld [smem:$0x3FD9]  }
0x89: {  	s3 =	sld [smem:$0x3FFE];
	_ =	sdelay $0x1  }
0x8a: {  	s1 =	srdreg.scid  }
0x8b: {  	s0 =	sand.u32 $0x1, s1  }
0x8c: {  	s17 =	sshll.u32 s0, $0xA;
	s2 =	sadd.s32 s3, s2  }
0x8d: {  	s2 =	sadd.s32 s2, s17  }
0x8e: {  	[smem:$0x3FC6] =	sst s2  }
0x8f: {  	_ = 	snop  }
0x90: {  	s2 =	sld [smem:$0x3FC8]  }
0x91: {  	s18 =	sld [smem:$0x3FD0];
	(tm) =	ssettm $0x1  }
0x92: {  	s4 =	sld [smem:$0x3FFB];
	_ =	sdelay $0x3  }
0x93: {  	_ =	strace s4  }
0x94: {  	s4 =	sld [smem:$0x3FFC];
	_ =	sdelay $0x3  }
0x95: {  	_ =	strace s4  }
0x96: {  	s4 =	sld [smem:$0x3FFD];
	_ =	sdelay $0x3  }
0x97: {  	_ =	strace s4  }
0x98: {  	_ =	strace $0x8FFFFFFF  }
0x99: {  	s19 =	sld [smem:$0x3FDB];
	_ =	sdelay $0x1  }
0x9a: {  	s5 =	simm.s32 $_scs_section_size  }
0x9b: {  	s6 =	simm.s32 $_size__tile_overlayer_lowered;
	s7 =	simm.s32 $_tile_overlayer_lowered  }
0x9c: {  	s22 =	simm.s32 $0x1BFF;
	s21 =	sshll.u32 s7, $0x1;
	s4 =	sadd.s32 s5, s19  }
0x9d: {  	s8 =	simm.s32 $0x0;
	s20 =	sshll.u32 s6, $0x1;
	s6 =	sadd.s32 s21, s4  }
0x9e: {  	[timem:s8], [sflag:s22] =	dma.local [hbm:s6], s20  }
0x9f: {  	_ =	swait.ge [sflag:s22], s20  }
0xa0: {  	s5 =	ssub.s32 $0x0, s20;
	[sflag:s22] =	ssyncset.done $0x0  }
0xa1: {  	[sflag:s22] =	ssyncadd.s32 s5;
	_ =	sdelay $0x1  }
0xa2: {  	s23 =	simm.s32 $0x1B8B  }
0xa3: {  	_ =	swait.ge [sflag:s23], $0x1  }
0xa4: {  	[sflag:s23] =	ssyncset.done $0x0  }
0xa5: {  	s25 =	simm.s32 $0x1B8E;
	s24 =	sld [smem:$0x3FFE];
	[sflag:s23] =	ssyncadd.s32 $0xFFFFFFFF  }
0xa6: {  	s26 =	simm.s32 $execute0_lowered;
	[smem:$0x3FD2] =	sst s25  }
0xa7: {  	s6 =	sshll.u32 s26, $0x1;
	_ =	strace $0x80000046;
	[dreg:$0x1] =	wrdreg $0xFFFFFFFF  }
0xa8: {  	s28 =	simm.s32 $_size_execute0_lowered;
	s4 =	sadd.s32 s4, s6;
	[dreg:$0x0] =	wrdreg $0x0  }
0xa9: {  	s6 =	sshll.u32 s28, $0x1;
	[dreg:$0x2] =	wrdreg s4  }
0xaa: {  	[dreg:$0x3] =	wrdreg s6  }
0xab: {  	[dreg:$0x4] =	wrdreg $0xC0  }
0xac: {  	_ =	task [dreg:s8], $0x5FFFF  }
0xad: {  	[dreg:$0x1] =	wrdreg $0xFFFFFFFF  }
0xae: {  	[dreg:$0x0] =	wrdreg $0x60  }
0xaf: {  	[dreg:$0x2] =	wrdreg s24  }
0xb0: {  	[dreg:$0x3] =	wrdreg s2  }
0xb1: {  	[dreg:$0x4] =	wrdreg s18  }
0xb2: {  	[dreg:$0x5] =	wrdreg $0x84D00  }
0xb3: {  	[dreg:$0x6] =	wrdreg $0xE6900  }
0xb4: {  	[dreg:$0x7] =	wrdreg $0x9  }
0xb5: {  	_ =	task.clear_ibuf [dreg:s8], $0x8FFFF;
	_ =	strace $0x90000046  }
0xb6: {  	s29 =	simm.s32 $0x9;
	_ =	strace $0x80000048  }
0xb7: {  	_ =	swait.ge [sflag:s29], $0x1  }
0xb8: {  	[sflag:s29] =	ssyncadd.s32 $0xFFFFFFFF  }
0xb9: {  	_ =	strace $0x90000048  }
0xba: {  	_ =	sfence  }
0xbb: {  	s30 =	sld [smem:$0x0];
	_ =	sdelay $0x2  }
0xbc: {  	s31 =	sshll.u32 s1, $0xD;
	s1 =	sshrl.u32 s1, $0x2  }
0xbd: {  	s3 =	sand.u32 $0x4000, s31;
	s1 =	sadd.s32 s1, s30  }
0xbe: {  	s0 =	sor.u32 s3, s0;
	s1 =	sshll.u32 s1, $0x11  }
0xbf: {  	s0 =	sor.u32 s1, s0  }
0xc0: {  	s0 =	sadd.s32 $0x8F2B, s0  }
0xc1: {  	[sflag:s0] =	ssyncadd.remote.s32 $0x1  }
0xc2: {  	_ =	sfence.sel $0xFFFF  }
0xc3: {  	[dreg:$0x0] =	wrdreg $0xFFFFFFFF;
	(pc) =	sbr.abs _section_cstart, $3  }
0xc4: {  	[dreg:$0x1] =	wrdreg $0xFFFFFFFF  }
0xc5: {  	_ =	task.clear_ibuf [dreg:s8], $0x2FFFF;
	_ =	strace $0x9FFFFFFF  }
0xc6: {  	(tm) =	ssettm $0x7FFFFFFF  }
0xc7: {  	_ =	shalt  }
tec
execute0_lowered:
.L_overlay_start_1:
0x0: {  	(tag) =	ssettag $0x1  }
0x1: {  	s8 =	rddreg [dreg:$0x0]  }
0x2: {  	s1 =	rddreg [dreg:$0x1]  }
0x3: {  	s10 =	rddreg [dreg:$0x2]  }
0x4: {  	s2 =	rddreg [dreg:$0x3]  }
0x5: {  	s3 =	rddreg [dreg:$0x4]  }
0x6: {  	s0 =	rddreg [dreg:$0x5];
	s4 =	simm.s32 $0x0;
	s5 =	srdreg.scid  }
0x7: {  	[smem:$0x7FF] =	sst s4;
	s9 =	sand.u32 $0x1, s5  }
0x8: {  	s6 =	sadd.s32 $0x186AE00, s8;
	s7 =	sadd.s32 $0xE00, s8;
	s5 =	stileid.u32  }
0x9: {  	_ =	strace $0x80000047;
	s11 =	smul.u32 $0xC380, s9;
	s12 =	ssub.s32 $0x2, s9  }
0xa: {  	s14 =	smul.u32 $0x61C0, s5;
	s30 =	sshll.u32 s9, $0x4;
	s31 =	sshll.u32 s5, $0x6  }
0xb: {  	s29 =	sshrl.u32 s12, $0x1;
	s15 =	sor.u32 s5, s30;
	s13 =	sadd.s32 s11, s8  }
0xc: {  	s12 =	ssub.s32 s12, s29;
	s16 =	sadd.s32 s14, s2;
	s8 =	sor.u32 $0x1C01, s31  }
0xd: {  	s17 =	sadd.s32 s14, s3;
	s9 =	smul.u32 $0xC350, s15;
	s18 =	sadd.s32 s10, s11  }
0xe: {  	s19 =	sshrl.u32 s14, $0x3;
	s14 =	simm.s32 $0x3E80;
	s15 =	simm.s32 $0x7D00  }
0xf: {  	s20 =	sadd.s32 $0x1C00, s13;
	s10 =	smax.u32 s12, $0x1;
	s11 =	sshrl.u32 s16, $0x3  }
0x10: {  	v0 =	vlaneseq.u32;
	s12 =	simm.s32 $0x1;
	s13 =	sshrl.u32 s17, $0x3;
	s16 =	simm.s32 $0x50  }
0x11: {  	v0 =	vmul.u32 $0x8, v0;
	s17 =	sadd.s32 s19, s18;
	s18 =	sadd.s32 s19, s20;
	s19 =	simm.s32 $0x0  }
.LBB2_1:
0x12: {  	[spmem:s11], [sflag:s8] =	dma.local [hbm:s7], $0xC38  }
0x13: {  	_ =	swait.ge [sflag:s12], $0xC38  }
0x14: {  	[sflag:s12] =	ssyncset.done $0x0  }
0x15: {  	[sflag:s12] =	ssyncadd.s32 $0xFFFFF3C8  }
0x16: {  	[spmem:s13], [sflag:s8] =	dma.local [hbm:s7], $0xC38  }
0x17: {  	_ =	swait.ge [sflag:s12], $0xC38  }
0x18: {  	[sflag:s12] =	ssyncset.done $0x0  }
0x19: {  	[sflag:s12] =	ssyncadd.s32 $0xFFFFF3C8  }
0x1a: {  	[tilespmem:s14], [sflag:$0x1] =	stream.linear.gather [hbm4b:s7+s4], $0x3E80, $0x38;
	[tilespmem:$0x14850] =	vst v63  }
0x1b: {  	_ =	swait.ge [sflag:s12], $0x3E80  }
0x1c: {  	[sflag:s12] =	ssyncset.done $0x0  }
0x1d: {  	[sflag:s12] =	ssyncadd.s32 $0xFFFFC180  }
0x1e: {  	s20 =	simm.s32 $0x0;
	[bflag:$0x0] =	sbarrier.arrive $0xFFFF  }
.LBB2_2:
0x1f: {  	s21 =	smul.u32 $0x7D0, s20;
	_ =	sdelay $0x1  }
0x20: {  	s22 =	sadd.s32 s9, s21  }
0x21: {  	s21 =	simm.s32 $0x0;
	s23 =	sadd.s32 s6, s22  }
0x22: {  	[tilespmem:s21], [sflag:$0x1] =	stream.linear.gather [hbm4b:s23+s21], $0x3E80, $0x38;
	[tilespmem:$0x14850] =	vst v63  }
0x23: {  	v1 =	vmov s21;
	_ =	swait.ge [sflag:s12], $0x3E80  }
0x24: {  	s22 =	sshrl.u32 s22, $0x3;
	v1 =	vshll.u32 v1, $0x3;
	[sflag:s12] =	ssyncset.done $0x0  }
0x25: {  	s22 =	sadd.s32 s1, s22;
	v2 =	vor.u32 v0, v1;
	[sflag:s12] =	ssyncadd.s32 $0xFFFFC180  }
0x26: {  	v1 =	vor.u32 $0x1, v2;
	[tilespmem:s15], [sflag:$0x1] =	stream.linear.gather [hbm4b:s22+s21], $0x7D0, $0x38;
	[tilespmem:$0x14850] =	vst v63  }
0x27: {  	v3 =	vor.u32 $0x2, v2;
	_ =	swait.ge [sflag:s12], $0x7D0  }
0x28: {  	[sflag:s12] =	ssyncset.done $0x0  }
0x29: {  	[sflag:s12] =	ssyncadd.s32 $0xFFFFF830  }
0x2a: {  	v4 =	vld.idx.msk [tilespmem:v2+s21+$0x0], $0xffff  }
0x2b: {  	v5 =	vld.idx.msk [tilespmem:v1+s21+$0x0], $0xffff  }
0x2c: {  	v6 =	vld.idx.msk [tilespmem:v3+s21+$0x0], $0xffff;
	_ =	sdelay $0x3  }
0x2d: {  	v7 =	vmul.f32 v5, v4  }
0x2e: {  	s31 =	simm.s32 $0x10;
	v8 =	vor.u32 $0x3, v2;
	v9 =	vmul.f32 v6, v4  }
0x2f: {  	v11 =	vmov s31;
	v10 =	vor.u32 $0x4, v2;
	[tilespmem:v2+s14+$0x0] =	vst.idx.msk $0xffff, v7  }
0x30: {  	v4 =	vmul.f32 v6, v5;
	v5 =	vor.u32 $0x5, v2;
	[tilespmem:v1+s14+$0x0] =	vst.idx.msk $0xffff, v9;
	v1 =	vshll.u32 v11, $0x3  }
0x31: {  	v1 =	vor.u32 v0, v1  }
0x32: {  	[tilespmem:v3+s14+$0x0] =	vst.idx.msk $0xffff, v7;
	v2 =	vor.u32 $0x1, v1  }
0x33: {  	[tilespmem:v8+s14+$0x0] =	vst.idx.msk $0xffff, v4;
	v3 =	vor.u32 $0x2, v1  }
0x34: {  	s22 =	simm.s32 $0x20;
	[tilespmem:v10+s14+$0x0] =	vst.idx.msk $0xffff, v9  }
.LBB2_3:
0x35: {  	p0 =	sne.s32 s22, $0x7C0;
	[tilespmem:v5+s14+$0x0] =	vst.idx.msk $0xffff, v4;
	s23 =	smov.u32 s22;
	s22 =	sadd.s32 $0x10, s22  }
0x36: {  	v4 =	vld.idx.msk [tilespmem:v1+s21+$0x0], $0xffff  }
0x37: {  	v6 =	vld.idx.msk [tilespmem:v2+s21+$0x0], $0xffff  }
0x38: {  	v7 =	vld.idx.msk [tilespmem:v3+s21+$0x0], $0xffff;
	_ =	sdelay $0x4  }
0x39: {  	v9 =	vor.u32 $0x3, v1;
	v8 =	vmul.f32 v6, v4  }
0x3a: {  	v11 =	vor.u32 $0x4, v1;
	v5 =	vmov s23;
	v10 =	vmul.f32 v7, v4  }
.Ltmp0:
0x3b: {  	v4 =	vshll.u32 v5, $0x3;
	v5 =	vor.u32 $0x5, v1;
	[tilespmem:v1+s14+$0x0] =	vst.idx.msk $0xffff, v8;
	(pc) =	sbr.rel @p0 .LBB2_3-.Ltmp0, $4  }
0x3c: {  	v1 =	vor.u32 v0, v4;
	v4 =	vmul.f32 v7, v6;
	[tilespmem:v2+s14+$0x0] =	vst.idx.msk $0xffff, v10  }
0x3d: {  	v2 =	vor.u32 $0x1, v1;
	[tilespmem:v3+s14+$0x0] =	vst.idx.msk $0xffff, v8  }
0x3e: {  	v3 =	vor.u32 $0x2, v1;
	[tilespmem:v9+s14+$0x0] =	vst.idx.msk $0xffff, v4  }
0x3f: {  	[tilespmem:v11+s14+$0x0] =	vst.idx.msk $0xffff, v10  }
0x40: {  	_ =	sdelay $0x3  }
0x41: {  	[tilespmem:v5+s14+$0x0] =	vst.idx.msk $0xffff, v4  }
0x42: {  	v4 =	vld.idx.msk [tilespmem:v1+s21+$0x0], $0xffff  }
0x43: {  	v5 =	vld.idx.msk [tilespmem:v2+s21+$0x0], $0xffff  }
0x44: {  	v6 =	vld.idx.msk [tilespmem:v3+s21+$0x0], $0xffff;
	_ =	sdelay $0x3  }
0x45: {  	v8 =	vor.u32 $0x3, v1;
	v7 =	vmul.f32 v5, v4  }
0x46: {  	v9 =	vor.u32 $0x4, v1;
	v4 =	vmul.f32 v6, v4  }
0x47: {  	[tilespmem:v1+s14+$0x0] =	vst.idx.msk $0xffff, v7;
	v1 =	vor.u32 $0x5, v1  }
0x48: {  	v5 =	vmul.f32 v6, v5;
	[tilespmem:v2+s14+$0x0] =	vst.idx.msk $0xffff, v4  }
0x49: {  	[tilespmem:v3+s14+$0x0] =	vst.idx.msk $0xffff, v7  }
0x4a: {  	[tilespmem:v8+s14+$0x0] =	vst.idx.msk $0xffff, v5  }
0x4b: {  	[tilespmem:v9+s14+$0x0] =	vst.idx.msk $0xffff, v4  }
0x4c: {  	s30 =	simm.s32 $0x7D00;
	s22 =	simm.s32 $0x0;
	[tilespmem:v1+s14+$0x0] =	vst.idx.msk $0xffff, v5  }
0x4d: {  	[spmem:s2] =	stream.indirect.scatter.add.f32 [tilespmem:s22], [sflag:$0x1], $0x8, s30, s16, $0xb8;
	[tilespmem:$0x14850] =	vst v63  }
0x4e: {  	_ =	swait.ge [sflag:s12], $0x280  }
0x4f: {  	[sflag:s12] =	ssyncset.done $0x0  }
0x50: {  	s31 =	simm.s32 $0x3E80;
	[sflag:s12] =	ssyncadd.s32 $0xFFFFFD80  }
0x51: {  	[spmem:s3] =	stream.indirect.scatter.add.f32 [tilespmem:s31], [sflag:$0x1], $0x8, s30, s16, $0xb8;
	[tilespmem:$0x14850] =	vst v63  }
0x52: {  	s23 =	simm.s32 $0x1400;
	_ =	swait.ge [sflag:s12], $0x280  }
0x53: {  	s21 =	simm.s32 $0x7D50;
	s22 =	simm.s32 $0xA00;
	[sflag:s12] =	ssyncset.done $0x0  }
.LBB2_5:
0x54: {  	s24 =	sshra.s32 s22, $0x2  }
0x55: {  	[sflag:s12] =	ssyncadd.s32 $0xFFFFFD80;
	s22 =	smov.u32 s23;
	s25 =	sadd.s32 $0xA00, s23  }
0x56: {  	[spmem:s2] =	stream.indirect.scatter.add.f32 [tilespmem:s24], [sflag:$0x1], $0x8, s21, s16, $0xb8;
	[tilespmem:$0x14850] =	vst v63  }
0x57: {  	p0 =	sne.s32 s23, $0xF000;
	_ =	swait.ge [sflag:s12], $0x280  }
.Ltmp1:
0x58: {  	[sflag:s12] =	ssyncset.done $0x0;
	(pc) =	sbr.rel @p0 .LBB2_5-.Ltmp1, $4  }
0x59: {  	s23 =	sadd.s32 $0x3E80, s24;
	[sflag:s12] =	ssyncadd.s32 $0xFFFFFD80  }
0x5a: {  	[spmem:s3] =	stream.indirect.scatter.add.f32 [tilespmem:s23], [sflag:$0x1], $0x8, s21, s16, $0xb8;
	[tilespmem:$0x14850] =	vst v63  }
0x5b: {  	_ =	swait.ge [sflag:s12], $0x280  }
0x5c: {  	s21 =	sadd.s32 $0x50, s21;
	s23 =	smov.u32 s25;
	[sflag:s12] =	ssyncset.done $0x0  }
0x5d: {  	s22 =	sshra.s32 s22, $0x2;
	[sflag:s12] =	ssyncadd.s32 $0xFFFFFD80  }
0x5e: {  	[spmem:s2] =	stream.indirect.scatter.add.f32 [tilespmem:s22], [sflag:$0x1], $0x8, s21, s16, $0xb8;
	[tilespmem:$0x14850] =	vst v63  }
0x5f: {  	s20 =	sadd.s32 $0x1, s20;
	_ =	swait.ge [sflag:s12], $0x280  }
0x60: {  	p0 =	sne.s32 s20, $0x19;
	[sflag:s12] =	ssyncset.done $0x0  }
.Ltmp2:
0x61: {  	s22 =	sadd.s32 $0x3E80, s22;
	[sflag:s12] =	ssyncadd.s32 $0xFFFFFD80;
	(pc) =	sbr.rel @p0 .LBB2_2-.Ltmp2, $4  }
0x62: {  	[spmem:s3] =	stream.indirect.scatter.add.f32 [tilespmem:s22], [sflag:$0x1], $0x8, s21, s16, $0xb8;
	[tilespmem:$0x14850] =	vst v63  }
0x63: {  	_ =	swait.ge [sflag:s12], $0x280  }
0x64: {  	[sflag:s12] =	ssyncset.done $0x0  }
0x65: {  	[sflag:s12] =	ssyncadd.s32 $0xFFFFFD80  }
0x66: {  	[bflag:$0x0] =	sbarrier.arrive $0xFFFF  }
0x67: {  	[hbm:s17], [sflag:s8] =	dma.local [spmem:s11], $0xC38  }
0x68: {  	s19 =	sadd.s32 $0x1, s19;
	_ =	swait.ge [sflag:s12], $0xC38  }
0x69: {  	p0 =	sne.s32 s19, s10;
	[sflag:s12] =	ssyncset.done $0x0  }
.Ltmp3:
0x6a: {  	[sflag:s12] =	ssyncadd.s32 $0xFFFFF3C8;
	(pc) =	sbr.rel @p0 .LBB2_1-.Ltmp3, $4  }
0x6b: {  	[hbm:s18], [sflag:s8] =	dma.local [spmem:s13], $0xC38  }
0x6c: {  	_ =	swait.ge [sflag:s12], $0xC38  }
0x6d: {  	[sflag:s12] =	ssyncset.done $0x0  }
0x6e: {  	[sflag:s12] =	ssyncadd.s32 $0xFFFFF3C8  }
0x6f: {  	_ =	sfence.sel $0x180000  }
0x70: {  	[bflag:$0x0] =	sbarrier.arrive $0xFFFF  }
0x71: {  	p0 =	sne.s32 s5, $0x0;
	_ =	strace $0x90000047  }
0x72: {  	s0 =	sadd.s32 @!p0 $0x100000, s0;
	[bflag:$0x2] =	sbarrier.arrive $0xFFFF  }
0x73: {  	[sflag:s0] =	ssyncadd.tile.s32 @!p0 $0x1;
	_ =	shalt  }
.Lfunc_end2:
_tile_overlayer_lowered:
.L_overlay_start_2:
0x74: {  	(tag) =	ssettag $0x2  }
0x75: {  	s0 =	rddreg [dreg:$0x0];
	s2 =	stileid.u32  }
0x76: {  	s1 =	rddreg [dreg:$0x1];
	p0 =	sne.s32 s2, $0x0  }
0x77: {  	s3 =	rddreg [dreg:$0x2];
	[bflag:$0x3] =	sbarrier.arrive $0xFFFF;
	s2 =	simm.s32 @!p0 $0x1C01  }
0x78: {  	[timem:s3], [sflag:s2] =	dma.local @!p0 [hbm:s0], s1  }
0x79: {  	s0 =	simm.s32 @!p0 $0x1  }
0x7a: {  	_ =	swait.ge @!p0 [sflag:s0], s1  }
0x7b: {  	s1 =	ssub.s32 @!p0 $0x0, s1;
	[sflag:s0] =	ssyncset.done @!p0 $0x0  }
0x7c: {  	[sflag:s0] =	ssyncadd.s32 @!p0 s1  }
0x7d: {  	[bflag:$0x3] =	sbarrier.arrive $0xFFFF  }
0x7e: {  	_ =	shalt  }

</sc_bundles>
